<compile_context>
chip_gen: v7x
topology: tpu7x:2x2x1
jax: 0.10.2.dev20260603
libtpu: 0.0.44.dev20260713+nightly
codegen_flags: <defaults>
</compile_context>

<pallas_src>
import functools

import numpy as np
import jax
import jax.numpy as jnp
from jax import lax
from jax.experimental import pallas as pl
from jax.experimental.pallas import tpu as pltpu
from jax.experimental.pallas import tpu_sc as plsc

BATCH = 4096
NUM_DENSE = 13
EMB = 128
NFIELDS = 26
NF1 = NFIELDS + 1
NPAD = 32
IDS = BATCH * NPAD

_NC, _NS = 2, 16
_NW = _NC * _NS
_BPW = IDS // _NW
_CHUNK = 128
_NCHUNK = _BPW // _CHUNK


@functools.cache
def _get_sc_gather():
    mesh = plsc.VectorSubcoreMesh(core_axis_name="c", subcore_axis_name="s")

    @functools.partial(
        pl.kernel,
        out_type=jax.ShapeDtypeStruct((IDS, EMB), jnp.float32),
        mesh=mesh,
        scratch_types=[
            pltpu.VMEM((_BPW,), jnp.int32),
            pltpu.VMEM((_CHUNK, EMB), jnp.float32),
            pltpu.SemaphoreType.DMA,
        ],
    )
    def _sc_gather(ids_hbm, table_hbm, out_hbm, idx_v, rows_v, sem):
        wid = lax.axis_index("s") * _NC + lax.axis_index("c")
        base = wid * _BPW
        pltpu.sync_copy(ids_hbm.at[pl.ds(base, _BPW)], idx_v)

        def step(j, carry):
            off = pl.multiple_of(j * _CHUNK, _CHUNK)
            pltpu.async_copy(
                table_hbm.at[idx_v.at[pl.ds(off, _CHUNK)]], rows_v, sem
            ).wait()
            pltpu.sync_copy(rows_v, out_hbm.at[pl.ds(base + off, _CHUNK)])
            return carry

        lax.fori_loop(0, _NCHUNK, step, 0)

    return _sc_gather


_BB = 256


def _tc_body(x_ref, emb_ref, wb0, bb0, wb1, bb1, wb2, bb2,
             w0d, wde, wee, bt0, wt1, bt1, wt2, bt2, wt3, bt3, out_ref):
    f32 = jnp.float32
    bf16 = jnp.bfloat16

    def dense(a, w, b):
        return jnp.dot(a.astype(bf16), w[...],
                       preferred_element_type=f32) + b[...]

    def dense32(a, w, b):
        return jnp.dot(a, w[...], preferred_element_type=f32) + b[...]

    x = x_ref[...]
    d = jnp.maximum(dense32(x, wb0, bb0), 0.0)
    d = jnp.maximum(dense32(d, wb1, bb1), 0.0)
    d = jnp.maximum(dense32(d, wb2, bb2), 0.0)
    db = d.astype(bf16)
    e3 = emb_ref[...].astype(bf16).reshape(_BB, NPAD, EMB)
    zde = lax.dot_general(db, e3, (((1,), (2,)), ((0,), (0,))),
                          preferred_element_type=f32)
    zee = lax.dot_general(e3, e3, (((2,), (2,)), ((0,), (0,))),
                          preferred_element_type=f32)
    zv = zee.astype(bf16).reshape(_BB, NPAD * NPAD)
    h = (jnp.dot(d, w0d[...], preferred_element_type=f32)
         + jnp.dot(zde.astype(bf16), wde[...], preferred_element_type=f32)
         + jnp.dot(zv, wee[...], preferred_element_type=f32)
         + bt0[...])
    h = jnp.maximum(h, 0.0)
    hb = h.astype(bf16)
    hr = (h - hb.astype(f32)).astype(bf16)
    h = (jnp.dot(hb, wt1[...], preferred_element_type=f32)
         + jnp.dot(hr, wt1[...], preferred_element_type=f32) + bt1[...])
    h = jnp.maximum(h, 0.0)
    h = jnp.maximum(dense32(h, wt2, bt2), 0.0)
    out_ref[...] = dense32(h, wt3, bt3)


def _full(shape):
    return pl.BlockSpec(shape, lambda i: (0,) * len(shape))


def _dense_call(x, emb_flat, wb0, bb0, wb1, bb1, wb2, bb2,
                w0d, wde, wee, bt0, wt1, bt1, wt2, bt2, wt3, bt3,
                interpret=False):
    grid = (BATCH // _BB,)
    in_specs = [
        pl.BlockSpec((_BB, NUM_DENSE), lambda i: (i, 0)),
        pl.BlockSpec((_BB * NPAD, EMB), lambda i: (i, 0)),
        _full(wb0.shape), _full(bb0.shape),
        _full(wb1.shape), _full(bb1.shape),
        _full(wb2.shape), _full(bb2.shape),
        _full(w0d.shape), _full(wde.shape), _full(wee.shape), _full(bt0.shape),
        _full(wt1.shape), _full(bt1.shape),
        _full(wt2.shape), _full(bt2.shape),
        _full(wt3.shape), _full(bt3.shape),
    ]
    return pl.pallas_call(
        _tc_body,
        grid=grid,
        in_specs=in_specs,
        out_specs=pl.BlockSpec((_BB, 1), lambda i: (i, 0)),
        out_shape=jax.ShapeDtypeStruct((BATCH, 1), jnp.float32),
        interpret=interpret,
    )(x, emb_flat, wb0, bb0, wb1, bb1, wb2, bb2,
      w0d, wde, wee, bt0, wt1, bt1, wt2, bt2, wt3, bt3)


_li, _lj = np.triu_indices(NF1, k=1)
_K = np.zeros((NF1, NF1), dtype=np.int32)
_K[_li, _lj] = np.arange(len(_li), dtype=np.int32)
_K[_lj, _li] = np.arange(len(_li), dtype=np.int32)
_K32 = np.zeros((NPAD, NPAD), dtype=np.int32)
_K32[:NFIELDS, :NFIELDS] = _K[1:, 1:]
_M32 = np.zeros((NPAD, NPAD), dtype=np.float32)
_M32[:NFIELDS, :NFIELDS] = ~np.eye(NFIELDS, dtype=bool)
_K32 = _K32.reshape(-1)
_M32 = _M32.reshape(-1, 1)


_PAD_IDS = (np.arange(BATCH * (NPAD - NFIELDS), dtype=np.int32)
            .reshape(BATCH, NPAD - NFIELDS) % 100000)


def kernel(dense_features, embedding_ids, emb_table,
           Wb0, bb0, Wb1, bb1, Wb2, bb2,
           Wt0, bt0, Wt1, bt1, Wt2, bt2, Wt3, bt3):
    ids = jnp.concatenate(
        [embedding_ids.astype(jnp.int32), jnp.asarray(_PAD_IDS)],
        axis=1).reshape(-1)
    emb_flat = _get_sc_gather()(ids, emb_table)
    bf16 = jnp.bfloat16
    w0d = Wt0[:EMB]
    wde = jnp.pad(Wt0[EMB:EMB + NFIELDS],
                  ((0, NPAD - NFIELDS), (0, 0))).astype(bf16)
    wee = (0.5 * (Wt0[EMB:][_K32] * _M32)).astype(bf16)
    out2 = _dense_call(
        dense_features, emb_flat,
        Wb0, bb0.reshape(1, -1),
        Wb1, bb1.reshape(1, -1),
        Wb2, bb2.reshape(1, -1),
        w0d, wde, wee, bt0.reshape(1, -1),
        Wt1.astype(bf16), bt1.reshape(1, -1),
        Wt2, bt2.reshape(1, -1),
        Wt3, bt3.reshape(1, -1))
    return out2.reshape(BATCH)

# --- scband reference (transcript-rebuilt; emitter-appended) ---
"""Pipeline reference for scband-dlrmv2-4466765988674 (READ-ONLY COPY).

The authoritative reference and input builder live on the scoring server;
editing this copy changes nothing except your own understanding.
"""

import jax, jax.numpy as jnp
import numpy as np

BATCH = 4096
NUM_DENSE = 13
VOCAB = 100000
EMB = 128
NFIELDS = 26
BOT = [512, 256, 128]
TOP = [1024, 512, 256, 1]


def setup_inputs(seed: int = 0) -> dict:
    key = jax.random.key(seed)
    ks = jax.random.split(key, 16)
    inp = {}
    inp["dense_features"] = jax.random.normal(ks[0], (BATCH, NUM_DENSE), dtype=jnp.float32)
    inp["embedding_ids"] = jax.random.randint(ks[1], (BATCH, NFIELDS), 0, VOCAB)
    inp["emb_table"] = jax.random.normal(ks[2], (VOCAB, EMB), dtype=jnp.float32) * 0.01
    bdims = [NUM_DENSE] + BOT
    for i in range(len(BOT)):
        inp["Wb%d" % i] = jax.random.normal(ks[3 + i], (bdims[i], bdims[i + 1]), dtype=jnp.float32) * (1.0 / np.sqrt(bdims[i]))
        inp["bb%d" % i] = jnp.zeros((bdims[i + 1],), dtype=jnp.float32)
    inter_dim = BOT[-1] + (NFIELDS + 1) * NFIELDS // 2
    tdims = [inter_dim] + TOP
    for i in range(len(TOP)):
        inp["Wt%d" % i] = jax.random.normal(ks[8 + i], (tdims[i], tdims[i + 1]), dtype=jnp.float32) * (1.0 / np.sqrt(tdims[i]))
        inp["bt%d" % i] = jnp.zeros((tdims[i + 1],), dtype=jnp.float32)
    return inp


def _mlp(x, Ws, bs, relu_last):
    n = len(Ws)
    for i in range(n):
        x = x @ Ws[i] + bs[i]
        if relu_last or i < n - 1:
            x = jax.nn.relu(x)
    return x


def _interaction(dense_out, emb):
    # DLRM dot-product interaction: concat dense (as one extra 'field') with
    # sparse embeddings, pairwise dots, keep strict upper triangle, then
    # concat flattened interactions with the dense output.
    combined = jnp.concatenate([dense_out[:, None, :], emb], axis=1)  # [B, F+1, D]
    Z = jnp.einsum('bnd,bmd->bnm', combined, combined)  # [B, F+1, F+1]
    F = combined.shape[1]
    li, lj = jnp.triu_indices(F, k=1)
    flat = Z[:, li, lj]  # [B, F*(F+1)/2 ... strict upper -> (F+1)*F/2]
    return jnp.concatenate([dense_out, flat], axis=1)


def reference(dense_features, embedding_ids, emb_table,
              Wb0, bb0, Wb1, bb1, Wb2, bb2,
              Wt0, bt0, Wt1, bt1, Wt2, bt2, Wt3, bt3):
    # DenseArch: bottom MLP with ReLU activations
    dense_out = _mlp(dense_features, [Wb0, Wb1, Wb2], [bb0, bb1, bb2], True)  # [B, 128]
    # EmbeddingArch: shared table lookup -> [B, NFIELDS, EMB]
    emb = jnp.take(emb_table, embedding_ids, axis=0)
    # InteractionArch
    inter = _interaction(dense_out, emb)  # [B, 128 + 351]
    # OverArch: top MLP, linear final layer, output dim 1 -> squeeze
    out = _mlp(inter, [Wt0, Wt1, Wt2, Wt3], [bt0, bt1, bt2, bt3], False)
    return out.squeeze()

if __name__ == "__main__":
    import jax
    _d = setup_inputs()
    print(jax.jit(kernel)(*tuple(_d.values())))

</pallas_src>

<mosaic_0001>
#map = affine_map<(d0, d1) -> (0)>
#map1 = affine_map<(d0, d1) -> (0, 0)>
module attributes {stable_mosaic.version = 14 : i64} {
  func.func @_sc_gather(%arg0: i32, %arg1: i32, %arg2: memref<131072xi32, #tpu.memory_space<hbm>>, %arg3: memref<100000x128xf32, #tpu.memory_space<hbm>>, %arg4: memref<131072x128xf32, #tpu.memory_space<hbm>>, %arg5: memref<4096xi32, #tpu.memory_space<vmem>>, %arg6: memref<128x128xf32, #tpu.memory_space<vmem>>, %arg7: memref<!tpu.dma_semaphore, #tpu.memory_space<semaphore_mem>>) attributes {dimension_semantics = [#tpu.dimension_semantics<core_parallel>, #tpu.dimension_semantics<subcore_parallel>], iteration_bounds = array<i64: 2, 16>, scalar_prefetch = 0 : i64, scratch_operands = 3 : i64, tpu.core_type = #tpu.core_type<sc_vector_subcore>, window_params = [{transform_indices = #map}, {transform_indices = #map1}, {transform_indices = #map1}]} {
    %mul3A = arith.constant 2 : i32
    %mul3A_0 = arith.muli %arg1, %mul3A : i32
    %add3A = arith.addi %mul3A_0, %arg0 : i32
    %mul3A_1 = arith.constant 4096 : i32
    %mul3A_2 = arith.muli %add3A, %mul3A_1 : i32
    "tpu.region"() ({
      %run_scoped3A = tpu.sem_alloc : memref<!tpu.dma_semaphore, #tpu.memory_space<semaphore_mem>>
      %dma_start3A = tpu.memref_slice %arg2[%mul3A_2] : memref<131072xi32, #tpu.memory_space<hbm>> -> memref<4096xi32, #tpu.memory_space<hbm>>
      %dma_start3A_8 = tpu.memref_slice %arg2[%mul3A_2] : memref<131072xi32, #tpu.memory_space<hbm>> -> memref<4096xi32, #tpu.memory_space<hbm>>
      tpu.enqueue_dma source(%dma_start3A_8 : memref<4096xi32, #tpu.memory_space<hbm>>) target(%arg5 : memref<4096xi32, #tpu.memory_space<vmem>>) target_semaphore(%run_scoped3A : memref<!tpu.dma_semaphore, #tpu.memory_space<semaphore_mem>>)
      %dma_wait3A = tpu.memref_slice %arg2[%mul3A_2] : memref<131072xi32, #tpu.memory_space<hbm>> -> memref<4096xi32, #tpu.memory_space<hbm>>
      %dma_wait3A_9 = tpu.memref_slice %arg2[%mul3A_2] : memref<131072xi32, #tpu.memory_space<hbm>> -> memref<4096xi32, #tpu.memory_space<hbm>>
      tpu.wait_dma2 semaphore(%run_scoped3A : memref<!tpu.dma_semaphore, #tpu.memory_space<semaphore_mem>>) src(%dma_wait3A_9 : memref<4096xi32, #tpu.memory_space<hbm>>) dst(%arg5 : memref<4096xi32, #tpu.memory_space<vmem>>)
      tpu.yield
    }) : () -> ()
    %scan3A = arith.constant 0 : i32
    %scan3A_3 = arith.constant 0 : i32
    %scan3A_4 = arith.constant 32 : i32
    %scan3A_5 = arith.addi %scan3A_3, %scan3A_4 : i32
    %scan3A_6 = arith.constant 1 : i32
    scf.for %scan3A_8 = %scan3A_3 to %scan3A_5 step %scan3A_6  : i32 {
      %mul3A_9 = arith.constant 128 : i32
      %mul3A_10 = arith.muli %scan3A_8, %mul3A_9 : i32
      %multiple_of3A = tpu.assume_multiple %mul3A_10, 128 : i32
      %dma_start3A = tpu.memref_slice %arg5[%multiple_of3A] : memref<4096xi32, #tpu.memory_space<vmem>> -> memref<128xi32, #tpu.memory_space<vmem>>
      %dma_start3A_11 = arith.constant 0 : i32
      %dma_start3A_12 = arith.constant 0 : i32
      %dma_start3A_13 = tpu.memref_slice %arg3[%dma_start3A_11, %dma_start3A_12] : memref<100000x128xf32, #tpu.memory_space<hbm>> -> memref<100000x128xf32, #tpu.memory_space<hbm>>
      tpu.enqueue_indirect_dma source(%dma_start3A_13 : memref<100000x128xf32, #tpu.memory_space<hbm>>) target(%arg6 : memref<128x128xf32, #tpu.memory_space<vmem>>) offsets(%dma_start3A : memref<128xi32, #tpu.memory_space<vmem>>) semaphore(%arg7 : memref<!tpu.dma_semaphore, #tpu.memory_space<semaphore_mem>>)
      %dma_wait3A = tpu.memref_slice %arg5[%multiple_of3A] : memref<4096xi32, #tpu.memory_space<vmem>> -> memref<128xi32, #tpu.memory_space<vmem>>
      %dma_wait3A_14 = arith.constant 0 : i32
      %dma_wait3A_15 = arith.constant 0 : i32
      %dma_wait3A_16 = tpu.memref_slice %arg3[%dma_wait3A_14, %dma_wait3A_15] : memref<100000x128xf32, #tpu.memory_space<hbm>> -> memref<100000x128xf32, #tpu.memory_space<hbm>>
      tpu.wait_indirect_dma semaphore(%arg7 : memref<!tpu.dma_semaphore, #tpu.memory_space<semaphore_mem>>) src(%dma_wait3A_16 : memref<100000x128xf32, #tpu.memory_space<hbm>>) dst(%arg6 : memref<128x128xf32, #tpu.memory_space<vmem>>)
      %add3A_17 = arith.addi %mul3A_2, %multiple_of3A : i32
      "tpu.region"() ({
        %run_scoped3A = tpu.sem_alloc : memref<!tpu.dma_semaphore, #tpu.memory_space<semaphore_mem>>
        %dma_start3A_18 = arith.constant 0 : i32
        %dma_start3A_19 = tpu.memref_slice %arg4[%add3A_17, %dma_start3A_18] : memref<131072x128xf32, #tpu.memory_space<hbm>> -> memref<128x128xf32, #tpu.memory_space<hbm>>
        %dma_start3A_20 = arith.constant 0 : i32
        %dma_start3A_21 = tpu.memref_slice %arg4[%add3A_17, %dma_start3A_20] : memref<131072x128xf32, #tpu.memory_space<hbm>> -> memref<128x128xf32, #tpu.memory_space<hbm>>
        tpu.enqueue_dma source(%arg6 : memref<128x128xf32, #tpu.memory_space<vmem>>) target(%dma_start3A_21 : memref<128x128xf32, #tpu.memory_space<hbm>>) target_semaphore(%run_scoped3A : memref<!tpu.dma_semaphore, #tpu.memory_space<semaphore_mem>>)
        %dma_wait3A_22 = arith.constant 0 : i32
        %dma_wait3A_23 = tpu.memref_slice %arg4[%add3A_17, %dma_wait3A_22] : memref<131072x128xf32, #tpu.memory_space<hbm>> -> memref<128x128xf32, #tpu.memory_space<hbm>>
        %dma_wait3A_24 = arith.constant 0 : i32
        %dma_wait3A_25 = tpu.memref_slice %arg4[%add3A_17, %dma_wait3A_24] : memref<131072x128xf32, #tpu.memory_space<hbm>> -> memref<128x128xf32, #tpu.memory_space<hbm>>
        tpu.wait_dma2 semaphore(%run_scoped3A : memref<!tpu.dma_semaphore, #tpu.memory_space<semaphore_mem>>) src(%arg6 : memref<128x128xf32, #tpu.memory_space<vmem>>) dst(%dma_wait3A_25 : memref<128x128xf32, #tpu.memory_space<hbm>>)
        tpu.yield
      }) : () -> ()
    }
    %scan3A_7 = arith.constant 32 : i32
    return
  }
}

module attributes {stable_mosaic.version = 14 : i64} {
  func.func @_tc_body(%arg0: i32, %arg1: memref<256x13xf32, #tpu.memory_space<vmem>>, %arg2: memref<8192x128xf32, #tpu.memory_space<vmem>>, %arg3: memref<13x512xf32, #tpu.memory_space<vmem>>, %arg4: memref<1x512xf32, #tpu.memory_space<vmem>>, %arg5: memref<512x256xf32, #tpu.memory_space<vmem>>, %arg6: memref<1x256xf32, #tpu.memory_space<vmem>>, %arg7: memref<256x128xf32, #tpu.memory_space<vmem>>, %arg8: memref<1x128xf32, #tpu.memory_space<vmem>>, %arg9: memref<128x1024xf32, #tpu.memory_space<vmem>>, %arg10: memref<32x1024xbf16, #tpu.memory_space<vmem>>, %arg11: memref<1024x1024xbf16, #tpu.memory_space<vmem>>, %arg12: memref<1x1024xf32, #tpu.memory_space<vmem>>, %arg13: memref<1024x512xbf16, #tpu.memory_space<vmem>>, %arg14: memref<1x512xf32, #tpu.memory_space<vmem>>, %arg15: memref<512x256xf32, #tpu.memory_space<vmem>>, %arg16: memref<1x256xf32, #tpu.memory_space<vmem>>, %arg17: memref<256x1xf32, #tpu.memory_space<vmem>>, %arg18: memref<1x1xf32, #tpu.memory_space<vmem>>, %arg19: memref<256x1xf32, #tpu.memory_space<vmem>>) attributes {dimension_semantics = [#tpu.dimension_semantics<arbitrary>], iteration_bounds = array<i64: 16>, scalar_prefetch = 0 : i64, scratch_operands = 0 : i64, tpu.core_type = #tpu.core_type<tc>, window_params = [{transform_indices = @transform_0, window_bounds = array<i64: 256, 13>}, {transform_indices = @transform_1, window_bounds = array<i64: 8192, 128>}, {pipeline_mode = #tpu.pipeline_mode<synchronous>, transform_indices = @transform_2, window_bounds = array<i64: 13, 512>}, {pipeline_mode = #tpu.pipeline_mode<synchronous>, transform_indices = @transform_3, window_bounds = array<i64: 1, 512>}, {pipeline_mode = #tpu.pipeline_mode<synchronous>, transform_indices = @transform_4, window_bounds = array<i64: 512, 256>}, {pipeline_mode = #tpu.pipeline_mode<synchronous>, transform_indices = @transform_5, window_bounds = array<i64: 1, 256>}, {pipeline_mode = #tpu.pipeline_mode<synchronous>, transform_indices = @transform_6, window_bounds = array<i64: 256, 128>}, {pipeline_mode = #tpu.pipeline_mode<synchronous>, transform_indices = @transform_7, window_bounds = array<i64: 1, 128>}, {pipeline_mode = #tpu.pipeline_mode<synchronous>, transform_indices = @transform_8, window_bounds = array<i64: 128, 1024>}, {pipeline_mode = #tpu.pipeline_mode<synchronous>, transform_indices = @transform_9, window_bounds = array<i64: 32, 1024>}, {pipeline_mode = #tpu.pipeline_mode<synchronous>, transform_indices = @transform_10, window_bounds = array<i64: 1024, 1024>}, {pipeline_mode = #tpu.pipeline_mode<synchronous>, transform_indices = @transform_11, window_bounds = array<i64: 1, 1024>}, {pipeline_mode = #tpu.pipeline_mode<synchronous>, transform_indices = @transform_12, window_bounds = array<i64: 1024, 512>}, {pipeline_mode = #tpu.pipeline_mode<synchronous>, transform_indices = @transform_13, window_bounds = array<i64: 1, 512>}, {pipeline_mode = #tpu.pipeline_mode<synchronous>, transform_indices = @transform_14, window_bounds = array<i64: 512, 256>}, {pipeline_mode = #tpu.pipeline_mode<synchronous>, transform_indices = @transform_15, window_bounds = array<i64: 1, 256>}, {pipeline_mode = #tpu.pipeline_mode<synchronous>, transform_indices = @transform_16, window_bounds = array<i64: 256, 1>}, {pipeline_mode = #tpu.pipeline_mode<synchronous>, transform_indices = @transform_17, window_bounds = array<i64: 1, 1>}, {transform_indices = @transform_18, window_bounds = array<i64: 256, 1>}]} {
    %get3A = arith.constant 0 : index
    %get3A_0 = arith.constant 0 : index
    %get3A_1 = vector.load %arg1[%get3A, %get3A_0] : memref<256x13xf32, #tpu.memory_space<vmem>>, vector<256x13xf32>
    %get3A_2 = arith.constant 0 : index
    %get3A_3 = arith.constant 0 : index
    %get3A_4 = vector.load %arg3[%get3A_2, %get3A_3] : memref<13x512xf32, #tpu.memory_space<vmem>>, vector<13x512xf32>
    %dot_general3A = arith.constant dense<0.000000e+00> : vector<256x512xf32>
    %dot_general3A_5 = tpu.matmul %get3A_1, %get3A_4, %dot_general3A {dimension_numbers = #tpu.dot_dimension_numbers<[1], [0], [0], [1], [0, 0, 1, 1], [], []>, transpose_lhs_hint = false} : vector<256x13xf32>, vector<13x512xf32>, vector<256x512xf32> -> vector<256x512xf32>
    %get3A_6 = arith.constant 0 : index
    %get3A_7 = arith.constant 0 : index
    %get3A_8 = vector.load %arg4[%get3A_6, %get3A_7] : memref<1x512xf32, #tpu.memory_space<vmem>>, vector<1x512xf32>
    %add3A = vector.broadcast %get3A_8 : vector<1x512xf32> to vector<256x512xf32>
    %add3A_9 = arith.addf %dot_general3A_5, %add3A : vector<256x512xf32>
    %max3A = arith.constant 0.000000e+00 : f32
    %max3A_10 = vector.broadcast %max3A : f32 to vector<256x512xf32>
    %max3A_11 = arith.maximumf %add3A_9, %max3A_10 : vector<256x512xf32>
    %get3A_12 = arith.constant 0 : index
    %get3A_13 = arith.constant 0 : index
    %get3A_14 = vector.load %arg5[%get3A_12, %get3A_13] : memref<512x256xf32, #tpu.memory_space<vmem>>, vector<512x256xf32>
    %dot_general3A_15 = arith.constant dense<0.000000e+00> : vector<256x256xf32>
    %dot_general3A_16 = tpu.matmul %max3A_11, %get3A_14, %dot_general3A_15 {dimension_numbers = #tpu.dot_dimension_numbers<[1], [0], [0], [1], [0, 0, 1, 1], [], []>, transpose_lhs_hint = false} : vector<256x512xf32>, vector<512x256xf32>, vector<256x256xf32> -> vector<256x256xf32>
    %get3A_17 = arith.constant 0 : index
    %get3A_18 = arith.constant 0 : index
    %get3A_19 = vector.load %arg6[%get3A_17, %get3A_18] : memref<1x256xf32, #tpu.memory_space<vmem>>, vector<1x256xf32>
    %add3A_20 = vector.broadcast %get3A_19 : vector<1x256xf32> to vector<256x256xf32>
    %add3A_21 = arith.addf %dot_general3A_16, %add3A_20 : vector<256x256xf32>
    %max3A_22 = arith.constant 0.000000e+00 : f32
    %max3A_23 = vector.broadcast %max3A_22 : f32 to vector<256x256xf32>
    %max3A_24 = arith.maximumf %add3A_21, %max3A_23 : vector<256x256xf32>
    %get3A_25 = arith.constant 0 : index
    %get3A_26 = arith.constant 0 : index
    %get3A_27 = vector.load %arg7[%get3A_25, %get3A_26] : memref<256x128xf32, #tpu.memory_space<vmem>>, vector<256x128xf32>
    %dot_general3A_28 = arith.constant dense<0.000000e+00> : vector<256x128xf32>
    %dot_general3A_29 = tpu.matmul %max3A_24, %get3A_27, %dot_general3A_28 {dimension_numbers = #tpu.dot_dimension_numbers<[1], [0], [0], [1], [0, 0, 1, 1], [], []>, transpose_lhs_hint = false} : vector<256x256xf32>, vector<256x128xf32>, vector<256x128xf32> -> vector<256x128xf32>
    %get3A_30 = arith.constant 0 : index
    %get3A_31 = arith.constant 0 : index
    %get3A_32 = vector.load %arg8[%get3A_30, %get3A_31] : memref<1x128xf32, #tpu.memory_space<vmem>>, vector<1x128xf32>
    %add3A_33 = vector.broadcast %get3A_32 : vector<1x128xf32> to vector<256x128xf32>
    %add3A_34 = arith.addf %dot_general3A_29, %add3A_33 : vector<256x128xf32>
    %max3A_35 = arith.constant 0.000000e+00 : f32
    %max3A_36 = vector.broadcast %max3A_35 : f32 to vector<256x128xf32>
    %max3A_37 = arith.maximumf %add3A_34, %max3A_36 : vector<256x128xf32>
    %convert_element_type3A = arith.truncf %max3A_37 : vector<256x128xf32> to vector<256x128xbf16>
    %get3A_38 = arith.constant 0 : index
    %get3A_39 = arith.constant 0 : index
    %get3A_40 = vector.load %arg2[%get3A_38, %get3A_39] : memref<8192x128xf32, #tpu.memory_space<vmem>>, vector<8192x128xf32>
    %convert_element_type3A_41 = arith.truncf %get3A_40 : vector<8192x128xf32> to vector<8192x128xbf16>
    %reshape3A = vector.shape_cast %convert_element_type3A_41 : vector<8192x128xbf16> to vector<256x32x128xbf16>
    %dot_general3A_42 = arith.constant dense<0.000000e+00> : vector<256x32xf32>
    %dot_general3A_43 = tpu.matmul %convert_element_type3A, %reshape3A, %dot_general3A_42 {dimension_numbers = #tpu.dot_dimension_numbers<[1], [2], [], [1], [0, 0, 1, 1], [0], [0]>, transpose_lhs_hint = false} : vector<256x128xbf16>, vector<256x32x128xbf16>, vector<256x32xf32> -> vector<256x32xf32>
    %dot_general3A_44 = arith.constant dense<0.000000e+00> : vector<256x32x32xf32>
    %dot_general3A_45 = tpu.matmul %reshape3A, %reshape3A, %dot_general3A_44 {dimension_numbers = #tpu.dot_dimension_numbers<[2], [2], [1], [1], [0, 0, 0, 1, 1, 1], [0], [0]>, transpose_lhs_hint = false} : vector<256x32x128xbf16>, vector<256x32x128xbf16>, vector<256x32x32xf32> -> vector<256x32x32xf32>
    %convert_element_type3A_46 = arith.truncf %dot_general3A_45 : vector<256x32x32xf32> to vector<256x32x32xbf16>
    %reshape3A_47 = vector.shape_cast %convert_element_type3A_46 : vector<256x32x32xbf16> to vector<256x1024xbf16>
    %get3A_48 = arith.constant 0 : index
    %get3A_49 = arith.constant 0 : index
    %get3A_50 = vector.load %arg9[%get3A_48, %get3A_49] : memref<128x1024xf32, #tpu.memory_space<vmem>>, vector<128x1024xf32>
    %dot_general3A_51 = arith.constant dense<0.000000e+00> : vector<256x1024xf32>
    %dot_general3A_52 = tpu.matmul %max3A_37, %get3A_50, %dot_general3A_51 {dimension_numbers = #tpu.dot_dimension_numbers<[1], [0], [0], [1], [0, 0, 1, 1], [], []>, transpose_lhs_hint = false} : vector<256x128xf32>, vector<128x1024xf32>, vector<256x1024xf32> -> vector<256x1024xf32>
    %convert_element_type3A_53 = arith.truncf %dot_general3A_43 : vector<256x32xf32> to vector<256x32xbf16>
    %get3A_54 = arith.constant 0 : index
    %get3A_55 = arith.constant 0 : index
    %get3A_56 = vector.load %arg10[%get3A_54, %get3A_55] : memref<32x1024xbf16, #tpu.memory_space<vmem>>, vector<32x1024xbf16>
    %dot_general3A_57 = arith.constant dense<0.000000e+00> : vector<256x1024xf32>
    %dot_general3A_58 = tpu.matmul %convert_element_type3A_53, %get3A_56, %dot_general3A_57 {dimension_numbers = #tpu.dot_dimension_numbers<[1], [0], [0], [1], [0, 0, 1, 1], [], []>, transpose_lhs_hint = false} : vector<256x32xbf16>, vector<32x1024xbf16>, vector<256x1024xf32> -> vector<256x1024xf32>
    %add3A_59 = arith.addf %dot_general3A_52, %dot_general3A_58 : vector<256x1024xf32>
    %get3A_60 = arith.constant 0 : index
    %get3A_61 = arith.constant 0 : index
    %get3A_62 = vector.load %arg11[%get3A_60, %get3A_61] : memref<1024x1024xbf16, #tpu.memory_space<vmem>>, vector<1024x1024xbf16>
    %dot_general3A_63 = arith.constant dense<0.000000e+00> : vector<256x1024xf32>
    %dot_general3A_64 = tpu.matmul %reshape3A_47, %get3A_62, %dot_general3A_63 {dimension_numbers = #tpu.dot_dimension_numbers<[1], [0], [0], [1], [0, 0, 1, 1], [], []>, transpose_lhs_hint = false} : vector<256x1024xbf16>, vector<1024x1024xbf16>, vector<256x1024xf32> -> vector<256x1024xf32>
    %add3A_65 = arith.addf %add3A_59, %dot_general3A_64 : vector<256x1024xf32>
    %get3A_66 = arith.constant 0 : index
    %get3A_67 = arith.constant 0 : index
    %get3A_68 = vector.load %arg12[%get3A_66, %get3A_67] : memref<1x1024xf32, #tpu.memory_space<vmem>>, vector<1x1024xf32>
    %add3A_69 = vector.broadcast %get3A_68 : vector<1x1024xf32> to vector<256x1024xf32>
    %add3A_70 = arith.addf %add3A_65, %add3A_69 : vector<256x1024xf32>
    %max3A_71 = arith.constant 0.000000e+00 : f32
    %max3A_72 = vector.broadcast %max3A_71 : f32 to vector<256x1024xf32>
    %max3A_73 = arith.maximumf %add3A_70, %max3A_72 : vector<256x1024xf32>
    %convert_element_type3A_74 = arith.truncf %max3A_73 : vector<256x1024xf32> to vector<256x1024xbf16>
    %convert_element_type3A_75 = arith.extf %convert_element_type3A_74 : vector<256x1024xbf16> to vector<256x1024xf32>
    %sub3A = arith.subf %max3A_73, %convert_element_type3A_75 : vector<256x1024xf32>
    %convert_element_type3A_76 = arith.truncf %sub3A : vector<256x1024xf32> to vector<256x1024xbf16>
    %get3A_77 = arith.constant 0 : index
    %get3A_78 = arith.constant 0 : index
    %get3A_79 = vector.load %arg13[%get3A_77, %get3A_78] : memref<1024x512xbf16, #tpu.memory_space<vmem>>, vector<1024x512xbf16>
    %dot_general3A_80 = arith.constant dense<0.000000e+00> : vector<256x512xf32>
    %dot_general3A_81 = tpu.matmul %convert_element_type3A_74, %get3A_79, %dot_general3A_80 {dimension_numbers = #tpu.dot_dimension_numbers<[1], [0], [0], [1], [0, 0, 1, 1], [], []>, transpose_lhs_hint = false} : vector<256x1024xbf16>, vector<1024x512xbf16>, vector<256x512xf32> -> vector<256x512xf32>
    %get3A_82 = arith.constant 0 : index
    %get3A_83 = arith.constant 0 : index
    %get3A_84 = vector.load %arg13[%get3A_82, %get3A_83] : memref<1024x512xbf16, #tpu.memory_space<vmem>>, vector<1024x512xbf16>
    %dot_general3A_85 = arith.constant dense<0.000000e+00> : vector<256x512xf32>
    %dot_general3A_86 = tpu.matmul %convert_element_type3A_76, %get3A_84, %dot_general3A_85 {dimension_numbers = #tpu.dot_dimension_numbers<[1], [0], [0], [1], [0, 0, 1, 1], [], []>, transpose_lhs_hint = false} : vector<256x1024xbf16>, vector<1024x512xbf16>, vector<256x512xf32> -> vector<256x512xf32>
    %add3A_87 = arith.addf %dot_general3A_81, %dot_general3A_86 : vector<256x512xf32>
    %get3A_88 = arith.constant 0 : index
    %get3A_89 = arith.constant 0 : index
    %get3A_90 = vector.load %arg14[%get3A_88, %get3A_89] : memref<1x512xf32, #tpu.memory_space<vmem>>, vector<1x512xf32>
    %add3A_91 = vector.broadcast %get3A_90 : vector<1x512xf32> to vector<256x512xf32>
    %add3A_92 = arith.addf %add3A_87, %add3A_91 : vector<256x512xf32>
    %max3A_93 = arith.constant 0.000000e+00 : f32
    %max3A_94 = vector.broadcast %max3A_93 : f32 to vector<256x512xf32>
    %max3A_95 = arith.maximumf %add3A_92, %max3A_94 : vector<256x512xf32>
    %get3A_96 = arith.constant 0 : index
    %get3A_97 = arith.constant 0 : index
    %get3A_98 = vector.load %arg15[%get3A_96, %get3A_97] : memref<512x256xf32, #tpu.memory_space<vmem>>, vector<512x256xf32>
    %dot_general3A_99 = arith.constant dense<0.000000e+00> : vector<256x256xf32>
    %dot_general3A_100 = tpu.matmul %max3A_95, %get3A_98, %dot_general3A_99 {dimension_numbers = #tpu.dot_dimension_numbers<[1], [0], [0], [1], [0, 0, 1, 1], [], []>, transpose_lhs_hint = false} : vector<256x512xf32>, vector<512x256xf32>, vector<256x256xf32> -> vector<256x256xf32>
    %get3A_101 = arith.constant 0 : index
    %get3A_102 = arith.constant 0 : index
    %get3A_103 = vector.load %arg16[%get3A_101, %get3A_102] : memref<1x256xf32, #tpu.memory_space<vmem>>, vector<1x256xf32>
    %add3A_104 = vector.broadcast %get3A_103 : vector<1x256xf32> to vector<256x256xf32>
    %add3A_105 = arith.addf %dot_general3A_100, %add3A_104 : vector<256x256xf32>
    %max3A_106 = arith.constant 0.000000e+00 : f32
    %max3A_107 = vector.broadcast %max3A_106 : f32 to vector<256x256xf32>
    %max3A_108 = arith.maximumf %add3A_105, %max3A_107 : vector<256x256xf32>
    %get3A_109 = arith.constant 0 : index
    %get3A_110 = arith.constant 0 : index
    %get3A_111 = vector.load %arg17[%get3A_109, %get3A_110] : memref<256x1xf32, #tpu.memory_space<vmem>>, vector<256x1xf32>
    %dot_general3A_112 = arith.constant dense<0.000000e+00> : vector<256x1xf32>
    %dot_general3A_113 = tpu.matmul %max3A_108, %get3A_111, %dot_general3A_112 {dimension_numbers = #tpu.dot_dimension_numbers<[1], [0], [0], [1], [0, 0, 1, 1], [], []>, transpose_lhs_hint = false} : vector<256x256xf32>, vector<256x1xf32>, vector<256x1xf32> -> vector<256x1xf32>
    %get3A_114 = arith.constant 0 : index
    %get3A_115 = arith.constant 0 : index
    %get3A_116 = vector.load %arg18[%get3A_114, %get3A_115] : memref<1x1xf32, #tpu.memory_space<vmem>>, vector<1x1xf32>
    %add3A_117 = vector.broadcast %get3A_116 : vector<1x1xf32> to vector<256x1xf32>
    %add3A_118 = arith.addf %dot_general3A_113, %add3A_117 : vector<256x1xf32>
    %swap3A = arith.constant 0 : index
    %swap3A_119 = arith.constant 0 : index
    %swap3A_120 = vector.load %arg19[%swap3A, %swap3A_119] : memref<256x1xf32, #tpu.memory_space<vmem>>, vector<256x1xf32>
    tpu.vector_store %arg19[%swap3A, %swap3A_119], %add3A_118 {strides = array<i32>} : memref<256x1xf32, #tpu.memory_space<vmem>>, vector<256x1xf32>,
    return
  }
  func.func @transform_0(%arg0: i32) -> (i32, i32) {
    %c0_i32 = arith.constant 0 : i32
    %c0_i32_0 = arith.constant 0 : i32
    return %arg0, %c0_i32 : i32, i32
  }
  func.func @transform_1(%arg0: i32) -> (i32, i32) {
    %c0_i32 = arith.constant 0 : i32
    %c0_i32_0 = arith.constant 0 : i32
    return %arg0, %c0_i32 : i32, i32
  }
  func.func @transform_2(%arg0: i32) -> (i32, i32) {
    %c0_i32 = arith.constant 0 : i32
    %c0_i32_0 = arith.constant 0 : i32
    %c0_i32_1 = arith.constant 0 : i32
    return %c0_i32, %c0_i32_0 : i32, i32
  }
  func.func @transform_3(%arg0: i32) -> (i32, i32) {
    %c0_i32 = arith.constant 0 : i32
    %c0_i32_0 = arith.constant 0 : i32
    %c0_i32_1 = arith.constant 0 : i32
    return %c0_i32, %c0_i32_0 : i32, i32
  }
  func.func @transform_4(%arg0: i32) -> (i32, i32) {
    %c0_i32 = arith.constant 0 : i32
    %c0_i32_0 = arith.constant 0 : i32
    %c0_i32_1 = arith.constant 0 : i32
    return %c0_i32, %c0_i32_0 : i32, i32
  }
  func.func @transform_5(%arg0: i32) -> (i32, i32) {
    %c0_i32 = arith.constant 0 : i32
    %c0_i32_0 = arith.constant 0 : i32
    %c0_i32_1 = arith.constant 0 : i32
    return %c0_i32, %c0_i32_0 : i32, i32
  }
  func.func @transform_6(%arg0: i32) -> (i32, i32) {
    %c0_i32 = arith.constant 0 : i32
    %c0_i32_0 = arith.constant 0 : i32
    %c0_i32_1 = arith.constant 0 : i32
    return %c0_i32, %c0_i32_0 : i32, i32
  }
  func.func @transform_7(%arg0: i32) -> (i32, i32) {
    %c0_i32 = arith.constant 0 : i32
    %c0_i32_0 = arith.constant 0 : i32
    %c0_i32_1 = arith.constant 0 : i32
    return %c0_i32, %c0_i32_0 : i32, i32
  }
  func.func @transform_8(%arg0: i32) -> (i32, i32) {
    %c0_i32 = arith.constant 0 : i32
    %c0_i32_0 = arith.constant 0 : i32
    %c0_i32_1 = arith.constant 0 : i32
    return %c0_i32, %c0_i32_0 : i32, i32
  }
  func.func @transform_9(%arg0: i32) -> (i32, i32) {
    %c0_i32 = arith.constant 0 : i32
    %c0_i32_0 = arith.constant 0 : i32
    %c0_i32_1 = arith.constant 0 : i32
    return %c0_i32, %c0_i32_0 : i32, i32
  }
  func.func @transform_10(%arg0: i32) -> (i32, i32) {
    %c0_i32 = arith.constant 0 : i32
    %c0_i32_0 = arith.constant 0 : i32
    %c0_i32_1 = arith.constant 0 : i32
    return %c0_i32, %c0_i32_0 : i32, i32
  }
  func.func @transform_11(%arg0: i32) -> (i32, i32) {
    %c0_i32 = arith.constant 0 : i32
    %c0_i32_0 = arith.constant 0 : i32
    %c0_i32_1 = arith.constant 0 : i32
    return %c0_i32, %c0_i32_0 : i32, i32
  }
  func.func @transform_12(%arg0: i32) -> (i32, i32) {
    %c0_i32 = arith.constant 0 : i32
    %c0_i32_0 = arith.constant 0 : i32
    %c0_i32_1 = arith.constant 0 : i32
    return %c0_i32, %c0_i32_0 : i32, i32
  }
  func.func @transform_13(%arg0: i32) -> (i32, i32) {
    %c0_i32 = arith.constant 0 : i32
    %c0_i32_0 = arith.constant 0 : i32
    %c0_i32_1 = arith.constant 0 : i32
    return %c0_i32, %c0_i32_0 : i32, i32
  }
  func.func @transform_14(%arg0: i32) -> (i32, i32) {
    %c0_i32 = arith.constant 0 : i32
    %c0_i32_0 = arith.constant 0 : i32
    %c0_i32_1 = arith.constant 0 : i32
    return %c0_i32, %c0_i32_0 : i32, i32
  }
  func.func @transform_15(%arg0: i32) -> (i32, i32) {
    %c0_i32 = arith.constant 0 : i32
    %c0_i32_0 = arith.constant 0 : i32
    %c0_i32_1 = arith.constant 0 : i32
    return %c0_i32, %c0_i32_0 : i32, i32
  }
  func.func @transform_16(%arg0: i32) -> (i32, i32) {
    %c0_i32 = arith.constant 0 : i32
    %c0_i32_0 = arith.constant 0 : i32
    %c0_i32_1 = arith.constant 0 : i32
    return %c0_i32, %c0_i32_0 : i32, i32
  }
  func.func @transform_17(%arg0: i32) -> (i32, i32) {
    %c0_i32 = arith.constant 0 : i32
    %c0_i32_0 = arith.constant 0 : i32
    %c0_i32_1 = arith.constant 0 : i32
    return %c0_i32, %c0_i32_0 : i32, i32
  }
  func.func @transform_18(%arg0: i32) -> (i32, i32) {
    %c0_i32 = arith.constant 0 : i32
    %c0_i32_0 = arith.constant 0 : i32
    return %arg0, %c0_i32 : i32, i32
  }
}

</mosaic_0001>

<sc_bundles>
// kernel: kernel.4.cloned.1.call-start
scs
__scs_entry_jumppad:
0x0: {  	(pc) =	sbr.rel $0x88, $3  }
0x1: {  	(tag) =	ssettag $0x0;
	lr =	simm.s32 $0x1  }
0x2: {  	[smem:$0x3F90] =	sst lr;
	_ =	strace $0xD0000000  }
0x3: {  	_ = 	snop  }
0x4: {  	_ = 	snop  }
0x5: {  	_ = 	snop  }
0x6: {  	_ = 	snop  }
0x7: {  	_ = 	snop  }
__scs_overlays_trampoline_lowered:
0x8: {  	[smem:$0x3F9F] =	sst s0  }
0x9: {  	[smem:$0x3FA0] =	sst s1  }
0xa: {  	[smem:$0x3FA1] =	sst s2  }
0xb: {  	[smem:$0x3FA2] =	sst s3  }
0xc: {  	[smem:$0x3FA3] =	sst s4  }
0xd: {  	[smem:$0x3FA4] =	sst s5  }
0xe: {  	[smem:$0x3FA5] =	sst s6  }
0xf: {  	[smem:$0x3FA6] =	sst s7  }
0x10: {  	[smem:$0x3FA7] =	sst s8  }
0x11: {  	[smem:$0x3FA8] =	sst s9;
	s0 =	simm.s32 @!p0 $0x0  }
0x12: {  	s1 =	sld [smem:$0x3F8E];
	s0 =	simm.s32 @p0 $0x1  }
0x13: {  	[smem:$0x3FA9] =	sst s0;
	s0 =	simm.s32 @!p1 $0x0  }
0x14: {  	s2 =	sld [smem:$0x3F8D];
	s0 =	simm.s32 @p1 $0x1  }
0x15: {  	[smem:$0x3FAA] =	sst s0;
	s0 =	simm.s32 @!p2 $0x0  }
0x16: {  	s3 =	sld [smem:$0x3FDB];
	s0 =	simm.s32 @p2 $0x1  }
0x17: {  	s4 =	simm.s32 $0x1BF5;
	[smem:$0x3FAC] =	sst s0  }
0x18: {  	s0 =	sld [smem:$0x3F8F];
	_ =	swait.ge [sflag:s4], $0x0  }
0x19: {  	s7 =	sld [smem:$0x3F90]  }
0x1a: {  	s8 =	sadd.s32 $0xFFFFE003, lr  }
0x1b: {  	s9 =	sadd.s32 $0xFFFFFEF7, lr;
	s5 =	simm.s32 $0xFFFFFFFF;
	p2 =	slt.u32 s8, $0xFFFFF086  }
0x1c: {  	p1 =	slt.u32 s9, $0xF7A;
	s5 =	simm.s32 @!p2 $0x0  }
0x1d: {  	s5 =	simm.s32 @p1 $0x1;
	p0 =	seq.s32 s7, s2  }
0x1e: {  	s7 =	smul.u32 @!p0 $0xF7A, s2;
	p2 =	seq.s32 @!p0 s5, $0x0  }
0x1f: {  	s9 =	smul.u32 $0xF7A, s1;
	s8 =	simm.s32 @!p0 $0x1BF5;
	p2 =	por !p2, p0  }
0x20: {  	[sflag:s8] =	ssyncset.s32 @!p0 $0xFFFFF086;
	s6 =	sadd.s32 @!p0 s3, s7;
	s7 =	simm.s32 @!p0 $0x108  }
0x21: {  	s3 =	sadd.s32 s3, s9;
	s6 =	sadd.s32 @!p0 $0x88, s6;
	s7 =	simm.s32 @p2 $0x1082  }
0x22: {  	[simem:s7], [sflag:s8] =	dma.local @!p0 [hbm:s6], $0xF7A  }
0x23: {  	s9 =	sor.u32 $0xD0000000, s2;
	s6 =	simm.s32 $0x108;
	_ =	swait.ge @!p0 [sflag:s8], $0x0  }
0x24: {  	s3 =	sadd.s32 $0x88, s3;
	s6 =	simm.s32 @!p1 $0x1082;
	[sflag:s4] =	ssyncset.s32 $0xFFFFF086  }
0x25: {  	[simem:s6], [sflag:s4] =	dma.local [hbm:s3], $0xF7A  }
0x26: {  	[smem:$0x3F90] =	sst s1;
	(tag) =	ssettag s2;
	_ =	strace s9  }
0x27: {  	s1 =	sld [smem:$0x3FA0]  }
0x28: {  	s2 =	sld [smem:$0x3FA1]  }
0x29: {  	s4 =	sld [smem:$0x3FA3]  }
0x2a: {  	p0 =	seq.s32 s5, $0x0;
	s5 =	sld [smem:$0x3FA4]  }
0x2b: {  	s6 =	sld [smem:$0x3FA5]  }
0x2c: {  	s7 =	sld [smem:$0x3FA6]  }
0x2d: {  	s3 =	simm.s32 $0x108;
	s8 =	sld [smem:$0x3FA7]  }
0x2e: {  	s3 =	simm.s32 @!p0 $0x1082;
	s9 =	sld [smem:$0x3FA8]  }
0x2f: {  	lr =	sadd.s32 s0, s3;
	s0 =	sld [smem:$0x3F9F]  }
0x30: {  	s3 =	sld [smem:$0x3FA2]  }
0x31: {  	[smem:$0x3FAB] =	sst s10  }
0x32: {  	s10 =	sld [smem:$0x3FA9];
	_ =	sdelay $0x3  }
0x33: {  	p0 =	seq.s32 s10, $0x1;
	s10 =	sld [smem:$0x3FAB];
	_ =	sdelay $0x3  }
0x34: {  	[smem:$0x3FAB] =	sst s10  }
0x35: {  	s10 =	sld [smem:$0x3FAA];
	_ =	sdelay $0x3  }
0x36: {  	p1 =	seq.s32 s10, $0x1;
	s10 =	sld [smem:$0x3FAB];
	_ =	sdelay $0x3  }
0x37: {  	[smem:$0x3FAB] =	sst s10  }
0x38: {  	s10 =	sld [smem:$0x3FAC]  }
0x39: {  	_ = 	snop;
	(pc) =	sbr.ind lr, $3  }
0x3a: {  	_ = 	snop  }
0x3b: {  	_ = 	snop  }
0x3c: {  	p2 =	seq.s32 s10, $0x1;
	s10 =	sld [smem:$0x3FAB]  }
0x3d: {  	_ =	shalt  }
0x3e: {  	_ =	shalt  }
0x3f: {  	_ =	shalt  }
0x40: {  	_ =	shalt  }
0x41: {  	_ =	shalt  }
0x42: {  	_ =	shalt  }
0x43: {  	_ =	shalt  }
0x44: {  	_ =	shalt  }
0x45: {  	_ =	shalt  }
0x46: {  	_ =	shalt  }
0x47: {  	_ =	shalt  }
0x48: {  	_ =	shalt  }
0x49: {  	_ =	shalt  }
0x4a: {  	_ =	shalt  }
0x4b: {  	_ =	shalt  }
0x4c: {  	_ =	shalt  }
0x4d: {  	_ =	shalt  }
0x4e: {  	_ =	shalt  }
0x4f: {  	_ =	shalt  }
0x50: {  	_ =	shalt  }
0x51: {  	_ =	shalt  }
0x52: {  	_ =	shalt  }
0x53: {  	_ =	shalt  }
0x54: {  	_ =	shalt  }
0x55: {  	_ =	shalt  }
0x56: {  	_ =	shalt  }
0x57: {  	_ =	shalt  }
0x58: {  	_ =	shalt  }
0x59: {  	_ =	shalt  }
0x5a: {  	_ =	shalt  }
0x5b: {  	_ =	shalt  }
0x5c: {  	_ =	shalt  }
0x5d: {  	_ =	shalt  }
0x5e: {  	_ =	shalt  }
0x5f: {  	_ =	shalt  }
0x60: {  	_ =	shalt  }
0x61: {  	_ =	shalt  }
0x62: {  	_ =	shalt  }
0x63: {  	_ =	shalt  }
0x64: {  	_ =	shalt  }
0x65: {  	_ =	shalt  }
0x66: {  	_ =	shalt  }
0x67: {  	_ =	shalt  }
0x68: {  	_ =	shalt  }
0x69: {  	_ =	shalt  }
0x6a: {  	_ =	shalt  }
0x6b: {  	_ =	shalt  }
0x6c: {  	_ =	shalt  }
0x6d: {  	_ =	shalt  }
0x6e: {  	_ =	shalt  }
0x6f: {  	_ =	shalt  }
0x70: {  	_ =	shalt  }
0x71: {  	_ =	shalt  }
0x72: {  	_ =	shalt  }
0x73: {  	_ =	shalt  }
0x74: {  	_ =	shalt  }
0x75: {  	_ =	shalt  }
0x76: {  	_ =	shalt  }
0x77: {  	_ =	shalt  }
0x78: {  	_ =	shalt  }
0x79: {  	_ =	shalt  }
0x7a: {  	_ =	shalt  }
0x7b: {  	_ =	shalt  }
0x7c: {  	_ =	shalt  }
0x7d: {  	_ =	shalt  }
0x7e: {  	_ =	shalt  }
0x7f: {  	_ =	shalt  }
0x80: {  	_ =	shalt  }
0x81: {  	_ =	shalt  }
0x82: {  	_ =	shalt  }
0x83: {  	_ =	shalt  }
0x84: {  	_ =	shalt  }
0x85: {  	_ =	shalt  }
0x86: {  	_ =	shalt  }
0x87: {  	_ =	shalt  }
.Lfunc_end0:
.L_simem_size_0:
called_computation_lowered:
.L_overlay_start_0:
0x88: {  	s2 =	sld [smem:$0x3FD9]  }
0x89: {  	s3 =	sld [smem:$0x3FFE];
	_ =	sdelay $0x1  }
0x8a: {  	s1 =	srdreg.scid  }
0x8b: {  	s0 =	sand.u32 $0x1, s1  }
0x8c: {  	s17 =	sshll.u32 s0, $0xA;
	s2 =	sadd.s32 s3, s2  }
0x8d: {  	s2 =	sadd.s32 s2, s17  }
0x8e: {  	[smem:$0x3FB7] =	sst s2  }
0x8f: {  	_ = 	snop  }
0x90: {  	s2 =	sld [smem:$0x3FC7];
	(tm) =	ssettm $0x1  }
0x91: {  	s18 =	sld [smem:$0x3FFB];
	_ =	sdelay $0x3  }
0x92: {  	_ =	strace s18  }
0x93: {  	s3 =	sld [smem:$0x3FFC];
	_ =	sdelay $0x3  }
0x94: {  	_ =	strace s3  }
0x95: {  	s3 =	sld [smem:$0x3FFD];
	_ =	sdelay $0x3  }
0x96: {  	_ =	strace s3  }
0x97: {  	_ =	strace $0x8FFFFFFF  }
0x98: {  	s19 =	sld [smem:$0x3FDB];
	_ =	sdelay $0x1  }
0x99: {  	s4 =	simm.s32 $_scs_section_size  }
0x9a: {  	s5 =	simm.s32 $_size__tile_overlayer_lowered;
	s6 =	simm.s32 $_tile_overlayer_lowered  }
0x9b: {  	s22 =	simm.s32 $0x1BFF;
	s21 =	sshll.u32 s6, $0x1;
	s3 =	sadd.s32 s4, s19  }
0x9c: {  	s7 =	simm.s32 $0x0;
	s20 =	sshll.u32 s5, $0x1;
	s5 =	sadd.s32 s21, s3  }
0x9d: {  	[timem:s7], [sflag:s22] =	dma.local [hbm:s5], s20  }
0x9e: {  	_ =	swait.ge [sflag:s22], s20  }
0x9f: {  	s4 =	ssub.s32 $0x0, s20;
	[sflag:s22] =	ssyncset.done $0x0  }
0xa0: {  	[sflag:s22] =	ssyncadd.s32 s4;
	_ =	sdelay $0x1  }
0xa1: {  	s23 =	simm.s32 $0x1B8B  }
0xa2: {  	_ =	swait.ge [sflag:s23], $0x1  }
0xa3: {  	[sflag:s23] =	ssyncset.done $0x0  }
0xa4: {  	s25 =	simm.s32 $0x1B8E;
	s24 =	sld [smem:$0x3FFE];
	[sflag:s23] =	ssyncadd.s32 $0xFFFFFFFF  }
0xa5: {  	s26 =	simm.s32 $execute0_lowered;
	[smem:$0x3FD2] =	sst s25  }
0xa6: {  	s5 =	sshll.u32 s26, $0x1;
	_ =	strace $0x80000046;
	[dreg:$0x1] =	wrdreg $0xFFFFFFFF  }
0xa7: {  	s28 =	simm.s32 $_size_execute0_lowered;
	s3 =	sadd.s32 s3, s5;
	[dreg:$0x0] =	wrdreg $0x0  }
0xa8: {  	s5 =	sshll.u32 s28, $0x1;
	[dreg:$0x2] =	wrdreg s3  }
0xa9: {  	[dreg:$0x3] =	wrdreg s5  }
0xaa: {  	[dreg:$0x4] =	wrdreg $0xC0  }
0xab: {  	_ =	task [dreg:s7], $0x5FFFF  }
0xac: {  	[dreg:$0x1] =	wrdreg $0xFFFFFFFF  }
0xad: {  	[dreg:$0x0] =	wrdreg $0x60  }
0xae: {  	[dreg:$0x2] =	wrdreg s24  }
0xaf: {  	[dreg:$0x3] =	wrdreg s2  }
0xb0: {  	[dreg:$0x4] =	wrdreg $0x9  }
0xb1: {  	_ =	task.clear_ibuf [dreg:s7], $0x5FFFF;
	_ =	strace $0x90000046  }
0xb2: {  	s29 =	simm.s32 $0x9;
	_ =	strace $0x80000048  }
0xb3: {  	_ =	swait.ge [sflag:s29], $0x1  }
0xb4: {  	[sflag:s29] =	ssyncadd.s32 $0xFFFFFFFF  }
0xb5: {  	_ =	strace $0x90000048  }
0xb6: {  	_ =	sfence  }
0xb7: {  	s30 =	sld [smem:$0x0];
	_ =	sdelay $0x2  }
0xb8: {  	s31 =	sshll.u32 s1, $0xD;
	s1 =	sshrl.u32 s1, $0x2  }
0xb9: {  	s3 =	sand.u32 $0x4000, s31;
	s1 =	sadd.s32 s1, s30  }
0xba: {  	s0 =	sor.u32 s3, s0;
	s1 =	sshll.u32 s1, $0x11  }
0xbb: {  	s0 =	sor.u32 s1, s0  }
0xbc: {  	s0 =	sadd.s32 $0x8F2B, s0  }
0xbd: {  	[sflag:s0] =	ssyncadd.remote.s32 $0x1  }
0xbe: {  	_ =	sfence.sel $0xFFFF  }
0xbf: {  	[dreg:$0x0] =	wrdreg $0xFFFFFFFF;
	(pc) =	sbr.abs _section_cstart, $3  }
0xc0: {  	[dreg:$0x1] =	wrdreg $0xFFFFFFFF  }
0xc1: {  	_ =	task.clear_ibuf [dreg:s7], $0x2FFFF;
	_ =	strace $0x9FFFFFFF  }
0xc2: {  	(tm) =	ssettm $0x7FFFFFFF  }
0xc3: {  	_ =	shalt  }
tec
execute0_lowered:
.L_overlay_start_1:
0x0: {  	(tag) =	ssettag $0x1  }
0x1: {  	s4 =	rddreg [dreg:$0x0]  }
0x2: {  	s2 =	rddreg [dreg:$0x1];
	s3 =	srdreg.scid  }
0x3: {  	s0 =	rddreg [dreg:$0x2];
	s1 =	stileid.u32  }
0x4: {  	s10 =	simm.s32 $0x1;
	s11 =	simm.s32 $0x0;
	s5 =	sand.u32 $0x1, s3  }
0x5: {  	s3 =	simm.s32 $0x0;
	s6 =	sshll.u32 s1, $0xD;
	s8 =	sshll.u32 s1, $0x11  }
0x6: {  	s7 =	sshll.u32 s5, $0xC;
	[smem:$0x7FF] =	sst s3;
	s29 =	ssub.s32 $0x2, s5  }
0x7: {  	s8 =	sadd.s32 s8, s4;
	s30 =	sshll.u32 s5, $0x10;
	s6 =	sor.u32 s7, s6  }
0x8: {  	_ =	strace $0x80000047;
	s9 =	sshrl.u32 s29, $0x1;
	s31 =	sadd.s32 s30, s8  }
0x9: {  	s8 =	simm.s32 $0x80;
	s6 =	sshrl.u32 s6, $0x3;
	s7 =	ssub.s32 s29, s9  }
0xa: {  	s9 =	simm.s32 $0x1000;
	s6 =	sadd.s32 s6, s4;
	s5 =	smax.u32 s7, $0x1  }
0xb: {  	s7 =	simm.s32 $0x2;
	s4 =	sadd.s32 $0x2400, s6;
	s6 =	sadd.s32 $0x6400, s31  }
.LBB2_1:
0xc: {  	[tilespmem:s3], [sflag:$0x2] =	stream.linear.gather [hbm4b:s4+s3], $0x1000, $0x38;
	[tilespmem:$0x5000] =	vst v63  }
0xd: {  	_ =	swait.ge [sflag:s7], $0x1000  }
0xe: {  	[sflag:s7] =	ssyncset.done $0x0  }
0xf: {  	s12 =	simm.s32 $0x0;
	[sflag:s7] =	ssyncadd.s32 $0xFFFFF000  }
0x10: {  	[tilespmem:s9], [sflag:$0x1] =	stream.indirect.gather [hbm4b:s2+s8], $0x80, s12, s8, $0xb8;
	[tilespmem:$0x5000] =	vst v63  }
0x11: {  	_ =	swait.ge [sflag:s10], $0x4000  }
0x12: {  	[sflag:s10] =	ssyncset.done $0x0  }
0x13: {  	[sflag:s10] =	ssyncadd.s32 $0xFFFFC000  }
0x14: {  	[hbm4b:s6+s3] =	stream.linear.scatter [tilespmem:s9], [sflag:$0x2], $0x4000, $0x38;
	[tilespmem:$0x5000] =	vst v63  }
0x15: {  	s13 =	simm.s32 $0x200;
	_ =	swait.ge [sflag:s7], $0x4000  }
0x16: {  	s14 =	simm.s32 $0x400;
	s12 =	sadd.s32 $0x800, s6;
	[sflag:s7] =	ssyncset.done $0x0  }
.LBB2_2:
0x17: {  	s15 =	sshra.s32 s13, $0x2  }
0x18: {  	[sflag:s7] =	ssyncadd.s32 $0xFFFFC000;
	s13 =	smov.u32 s14;
	s16 =	sadd.s32 $0x200, s14  }
0x19: {  	[tilespmem:s9], [sflag:$0x1] =	stream.indirect.gather [hbm4b:s2+s8], $0x80, s15, s8, $0xb8;
	[tilespmem:$0x5000] =	vst v63  }
0x1a: {  	p0 =	sne.s32 s14, $0x3E00;
	_ =	swait.ge [sflag:s10], $0x4000  }
.Ltmp0:
0x1b: {  	[sflag:s10] =	ssyncset.done $0x0;
	(pc) =	sbr.rel @p0 .LBB2_2-.Ltmp0, $4  }
0x1c: {  	[sflag:s10] =	ssyncadd.s32 $0xFFFFC000  }
0x1d: {  	[hbm4b:s12+s3] =	stream.linear.scatter [tilespmem:s9], [sflag:$0x2], $0x4000, $0x38;
	[tilespmem:$0x5000] =	vst v63  }
0x1e: {  	_ =	swait.ge [sflag:s7], $0x4000  }
0x1f: {  	s14 =	smov.u32 s16;
	s12 =	sadd.s32 $0x800, s12;
	[sflag:s7] =	ssyncset.done $0x0  }
0x20: {  	s13 =	sshra.s32 s13, $0x2;
	[sflag:s7] =	ssyncadd.s32 $0xFFFFC000  }
0x21: {  	[tilespmem:s9], [sflag:$0x1] =	stream.indirect.gather [hbm4b:s2+s8], $0x80, s13, s8, $0xb8;
	[tilespmem:$0x5000] =	vst v63  }
0x22: {  	s11 =	sadd.s32 $0x1, s11;
	_ =	swait.ge [sflag:s10], $0x4000  }
0x23: {  	p0 =	sne.s32 s11, s5;
	[sflag:s10] =	ssyncset.done $0x0  }
.Ltmp1:
0x24: {  	[sflag:s10] =	ssyncadd.s32 $0xFFFFC000;
	(pc) =	sbr.rel @p0 .LBB2_1-.Ltmp1, $4  }
0x25: {  	[hbm4b:s12+s3] =	stream.linear.scatter [tilespmem:s9], [sflag:$0x2], $0x4000, $0x38;
	[tilespmem:$0x5000] =	vst v63  }
0x26: {  	_ =	swait.ge [sflag:s7], $0x4000  }
0x27: {  	[sflag:s7] =	ssyncset.done $0x0  }
0x28: {  	[sflag:s7] =	ssyncadd.s32 $0xFFFFC000  }
0x29: {  	_ =	sfence.sel $0x180000  }
0x2a: {  	[bflag:$0x0] =	sbarrier.arrive $0xFFFF  }
0x2b: {  	p0 =	sne.s32 s1, $0x0;
	_ =	strace $0x90000047  }
0x2c: {  	s0 =	sadd.s32 @!p0 $0x100000, s0;
	[bflag:$0x2] =	sbarrier.arrive $0xFFFF  }
0x2d: {  	[sflag:s0] =	ssyncadd.tile.s32 @!p0 $0x1;
	_ =	shalt  }
.Lfunc_end2:
_tile_overlayer_lowered:
.L_overlay_start_2:
0x2e: {  	(tag) =	ssettag $0x2  }
0x2f: {  	s0 =	rddreg [dreg:$0x0];
	s2 =	stileid.u32  }
0x30: {  	s1 =	rddreg [dreg:$0x1];
	p0 =	sne.s32 s2, $0x0  }
0x31: {  	s3 =	rddreg [dreg:$0x2];
	[bflag:$0x3] =	sbarrier.arrive $0xFFFF;
	s2 =	simm.s32 @!p0 $0x1C02  }
0x32: {  	[timem:s3], [sflag:s2] =	dma.local @!p0 [hbm:s0], s1  }
0x33: {  	s0 =	simm.s32 @!p0 $0x2  }
0x34: {  	_ =	swait.ge @!p0 [sflag:s0], s1  }
0x35: {  	s1 =	ssub.s32 @!p0 $0x0, s1;
	[sflag:s0] =	ssyncset.done @!p0 $0x0  }
0x36: {  	[sflag:s0] =	ssyncadd.s32 @!p0 s1  }
0x37: {  	[bflag:$0x3] =	sbarrier.arrive $0xFFFF  }
0x38: {  	_ =	shalt  }

</sc_bundles>
